<compile_context>
chip_gen: v7x
topology: tpu7x:2x2x1
jax: 0.10.2.dev20260603
libtpu: 0.0.44.dev20260713+nightly
codegen_flags: <defaults>
</compile_context>

<pallas_src>
import functools

import jax
import jax.numpy as jnp
from jax import lax
from jax.experimental import pallas as pl
from jax.experimental.pallas import tpu as pltpu
from jax.experimental.pallas import tpu_sc as plsc

N_ITEMS = 100000
TEXT_DIM = 384
IMAGE_DIM = 512
OUT_DIM = TEXT_DIM + IMAGE_DIM
BATCH = 16384

_info = plsc.get_sparse_core_info()
_NC, _NS = _info.num_cores, _info.num_subcores
_NW = _NC * _NS
_B_PER_W = BATCH // _NW
_CHUNK = 128
_N_CHUNKS = _B_PER_W // _CHUNK


def _sc_gather_concat(idx_hbm, text_hbm, image_hbm, out_hbm,
                      idx_v, buf, gsem, wsem):
    wid = lax.axis_index("s") * _NC + lax.axis_index("c")
    base = wid * _B_PER_W
    pltpu.sync_copy(idx_hbm.at[wid], idx_v)

    def chunk_body(c, carry):
        idx_chunk = idx_v.at[c]
        ht = pltpu.async_copy(
            text_hbm.at[idx_chunk], buf.at[:, pl.ds(0, TEXT_DIM)], gsem)
        hi = pltpu.async_copy(
            image_hbm.at[idx_chunk], buf.at[:, pl.ds(TEXT_DIM, IMAGE_DIM)],
            gsem)
        ht.wait()
        hi.wait()
        row0 = pl.multiple_of(base + c * _CHUNK, _CHUNK)
        wh = pltpu.async_copy(
            buf, out_hbm.at[pl.ds(row0, _CHUNK)], wsem)
        wh.wait()
        return carry

    lax.fori_loop(0, _N_CHUNKS, chunk_body, 0)


@jax.jit
def _encode(item_idx, text_features, image_features):
    mesh = plsc.VectorSubcoreMesh(core_axis_name="c", subcore_axis_name="s")
    run = functools.partial(
        pl.kernel,
        mesh=mesh,
        out_type=jax.ShapeDtypeStruct((BATCH, OUT_DIM), jnp.float32),
        scratch_types=[
            pltpu.VMEM((_N_CHUNKS, _CHUNK), jnp.int32),
            pltpu.VMEM((_CHUNK, OUT_DIM), jnp.float32),
            pltpu.SemaphoreType.DMA,
            pltpu.SemaphoreType.DMA,
        ],
    )(_sc_gather_concat)
    idx3d = item_idx.astype(jnp.int32).reshape(_NW, _N_CHUNKS, _CHUNK)
    return run(idx3d, text_features, image_features)


def kernel(item_idx, text_features, image_features):
    return _encode(item_idx, text_features, image_features)

# --- scband reference (transcript-rebuilt; emitter-appended) ---
"""Pipeline reference for scband-item-content-encoder-18476949307877 (READ-ONLY COPY).

The authoritative reference and input builder live on the scoring server;
editing this copy changes nothing except your own understanding.
"""

import jax, jax.numpy as jnp
import numpy as np

N_ITEMS = 100000
TEXT_DIM = 384
IMAGE_DIM = 512
BATCH = 16384


def setup_inputs(seed: int = 0) -> dict:
    key = jax.random.key(seed)
    k1, k2, k3 = jax.random.split(key, 3)
    item_idx = jax.random.randint(k1, (BATCH,), 0, N_ITEMS, dtype=jnp.int64 if jax.config.jax_enable_x64 else jnp.int32)
    text_features = jax.random.normal(k2, (N_ITEMS, TEXT_DIM), dtype=jnp.float32)
    image_features = jax.random.normal(k3, (N_ITEMS, IMAGE_DIM), dtype=jnp.float32)
    return {"item_idx": item_idx, "text_features": text_features, "image_features": image_features}


def reference(item_idx, text_features, image_features):
    # Faithful translation of ItemContentEncoder.forward:
    # gather text features, gather image features, concat along last dim.
    text_gathered = jnp.take(text_features, item_idx, axis=0)
    image_gathered = jnp.take(image_features, item_idx, axis=0)
    return jnp.concatenate([text_gathered, image_gathered], axis=-1)

if __name__ == "__main__":
    import jax
    _d = setup_inputs()
    print(jax.jit(kernel)(*tuple(_d.values())))

</pallas_src>

<mosaic_0001>
#map = affine_map<(d0, d1) -> (0, 0, 0)>
#map1 = affine_map<(d0, d1) -> (0, 0)>
module attributes {stable_mosaic.version = 14 : i64} {
  func.func @_sc_gather_concat(%arg0: i32, %arg1: i32, %arg2: memref<32x4x128xi32, #tpu.memory_space<hbm>>, %arg3: memref<100000x384xf32, #tpu.memory_space<hbm>>, %arg4: memref<100000x512xf32, #tpu.memory_space<hbm>>, %arg5: memref<16384x896xf32, #tpu.memory_space<hbm>>, %arg6: memref<4x128xi32, #tpu.memory_space<vmem>>, %arg7: memref<128x896xf32, #tpu.memory_space<vmem>>, %arg8: memref<!tpu.dma_semaphore, #tpu.memory_space<semaphore_mem>>, %arg9: memref<!tpu.dma_semaphore, #tpu.memory_space<semaphore_mem>>) attributes {dimension_semantics = [#tpu.dimension_semantics<core_parallel>, #tpu.dimension_semantics<subcore_parallel>], iteration_bounds = array<i64: 2, 16>, scalar_prefetch = 0 : i64, scratch_operands = 4 : i64, tpu.core_type = #tpu.core_type<sc_vector_subcore>, window_params = [{transform_indices = #map}, {transform_indices = #map1}, {transform_indices = #map1}, {transform_indices = #map1}]} {
    %mul3A = arith.constant 2 : i32
    %mul3A_0 = arith.muli %arg1, %mul3A : i32
    %add3A = arith.addi %mul3A_0, %arg0 : i32
    %mul3A_1 = arith.constant 512 : i32
    %mul3A_2 = arith.muli %add3A, %mul3A_1 : i32
    "tpu.region"() ({
      %run_scoped3A = tpu.sem_alloc : memref<!tpu.dma_semaphore, #tpu.memory_space<semaphore_mem>>
      %dma_start3A = arith.constant 0 : i32
      %dma_start3A_8 = arith.constant 0 : i32
      %dma_start3A_9 = tpu.memref_slice %arg2[%add3A, %dma_start3A, %dma_start3A_8] : memref<32x4x128xi32, #tpu.memory_space<hbm>> -> memref<1x4x128xi32, #tpu.memory_space<hbm>>
      %dma_start3A_10 = tpu.memref_squeeze %dma_start3A_9 : memref<1x4x128xi32, #tpu.memory_space<hbm>> -> memref<4x128xi32, #tpu.memory_space<hbm>>
      %dma_start3A_11 = arith.constant 0 : i32
      %dma_start3A_12 = arith.constant 0 : i32
      %dma_start3A_13 = tpu.memref_slice %arg2[%add3A, %dma_start3A_11, %dma_start3A_12] : memref<32x4x128xi32, #tpu.memory_space<hbm>> -> memref<1x4x128xi32, #tpu.memory_space<hbm>>
      %dma_start3A_14 = tpu.memref_squeeze %dma_start3A_13 : memref<1x4x128xi32, #tpu.memory_space<hbm>> -> memref<4x128xi32, #tpu.memory_space<hbm>>
      tpu.enqueue_dma source(%dma_start3A_14 : memref<4x128xi32, #tpu.memory_space<hbm>>) target(%arg6 : memref<4x128xi32, #tpu.memory_space<vmem>>) target_semaphore(%run_scoped3A : memref<!tpu.dma_semaphore, #tpu.memory_space<semaphore_mem>>)
      %dma_wait3A = arith.constant 0 : i32
      %dma_wait3A_15 = arith.constant 0 : i32
      %dma_wait3A_16 = tpu.memref_slice %arg2[%add3A, %dma_wait3A, %dma_wait3A_15] : memref<32x4x128xi32, #tpu.memory_space<hbm>> -> memref<1x4x128xi32, #tpu.memory_space<hbm>>
      %dma_wait3A_17 = tpu.memref_squeeze %dma_wait3A_16 : memref<1x4x128xi32, #tpu.memory_space<hbm>> -> memref<4x128xi32, #tpu.memory_space<hbm>>
      %dma_wait3A_18 = arith.constant 0 : i32
      %dma_wait3A_19 = arith.constant 0 : i32
      %dma_wait3A_20 = tpu.memref_slice %arg2[%add3A, %dma_wait3A_18, %dma_wait3A_19] : memref<32x4x128xi32, #tpu.memory_space<hbm>> -> memref<1x4x128xi32, #tpu.memory_space<hbm>>
      %dma_wait3A_21 = tpu.memref_squeeze %dma_wait3A_20 : memref<1x4x128xi32, #tpu.memory_space<hbm>> -> memref<4x128xi32, #tpu.memory_space<hbm>>
      tpu.wait_dma2 semaphore(%run_scoped3A : memref<!tpu.dma_semaphore, #tpu.memory_space<semaphore_mem>>) src(%dma_wait3A_21 : memref<4x128xi32, #tpu.memory_space<hbm>>) dst(%arg6 : memref<4x128xi32, #tpu.memory_space<vmem>>)
      tpu.yield
    }) : () -> ()
    %scan3A = arith.constant 0 : i32
    %scan3A_3 = arith.constant 0 : i32
    %scan3A_4 = arith.constant 4 : i32
    %scan3A_5 = arith.addi %scan3A_3, %scan3A_4 : i32
    %scan3A_6 = arith.constant 1 : i32
    scf.for %scan3A_8 = %scan3A_3 to %scan3A_5 step %scan3A_6  : i32 {
      %dma_start3A = arith.constant 0 : i32
      %dma_start3A_9 = arith.constant 0 : i32
      %dma_start3A_10 = tpu.memref_slice %arg7[%dma_start3A, %dma_start3A_9] : memref<128x896xf32, #tpu.memory_space<vmem>> -> memref<128x384xf32, #tpu.memory_space<vmem>>
      %dma_start3A_11 = arith.constant 0 : i32
      %dma_start3A_12 = tpu.memref_slice %arg6[%scan3A_8, %dma_start3A_11] : memref<4x128xi32, #tpu.memory_space<vmem>> -> memref<1x128xi32, #tpu.memory_space<vmem>>
      %dma_start3A_13 = tpu.memref_squeeze %dma_start3A_12 : memref<1x128xi32, #tpu.memory_space<vmem>> -> memref<128xi32, #tpu.memory_space<vmem>>
      %dma_start3A_14 = arith.constant 0 : i32
      %dma_start3A_15 = arith.constant 0 : i32
      %dma_start3A_16 = tpu.memref_slice %arg3[%dma_start3A_14, %dma_start3A_15] : memref<100000x384xf32, #tpu.memory_space<hbm>> -> memref<100000x384xf32, #tpu.memory_space<hbm>>
      tpu.enqueue_indirect_dma source(%dma_start3A_16 : memref<100000x384xf32, #tpu.memory_space<hbm>>) target(%dma_start3A_10 : memref<128x384xf32, #tpu.memory_space<vmem>>) offsets(%dma_start3A_13 : memref<128xi32, #tpu.memory_space<vmem>>) semaphore(%arg8 : memref<!tpu.dma_semaphore, #tpu.memory_space<semaphore_mem>>)
      %dma_start3A_17 = arith.constant 0 : i32
      %dma_start3A_18 = arith.constant 384 : i32
      %dma_start3A_19 = tpu.memref_slice %arg7[%dma_start3A_17, %dma_start3A_18] : memref<128x896xf32, #tpu.memory_space<vmem>> -> memref<128x512xf32, #tpu.memory_space<vmem>>
      %dma_start3A_20 = arith.constant 0 : i32
      %dma_start3A_21 = tpu.memref_slice %arg6[%scan3A_8, %dma_start3A_20] : memref<4x128xi32, #tpu.memory_space<vmem>> -> memref<1x128xi32, #tpu.memory_space<vmem>>
      %dma_start3A_22 = tpu.memref_squeeze %dma_start3A_21 : memref<1x128xi32, #tpu.memory_space<vmem>> -> memref<128xi32, #tpu.memory_space<vmem>>
      %dma_start3A_23 = arith.constant 0 : i32
      %dma_start3A_24 = arith.constant 0 : i32
      %dma_start3A_25 = tpu.memref_slice %arg4[%dma_start3A_23, %dma_start3A_24] : memref<100000x512xf32, #tpu.memory_space<hbm>> -> memref<100000x512xf32, #tpu.memory_space<hbm>>
      tpu.enqueue_indirect_dma source(%dma_start3A_25 : memref<100000x512xf32, #tpu.memory_space<hbm>>) target(%dma_start3A_19 : memref<128x512xf32, #tpu.memory_space<vmem>>) offsets(%dma_start3A_22 : memref<128xi32, #tpu.memory_space<vmem>>) semaphore(%arg8 : memref<!tpu.dma_semaphore, #tpu.memory_space<semaphore_mem>>)
      %dma_wait3A = arith.constant 0 : i32
      %dma_wait3A_26 = arith.constant 0 : i32
      %dma_wait3A_27 = tpu.memref_slice %arg7[%dma_wait3A, %dma_wait3A_26] : memref<128x896xf32, #tpu.memory_space<vmem>> -> memref<128x384xf32, #tpu.memory_space<vmem>>
      %dma_wait3A_28 = arith.constant 0 : i32
      %dma_wait3A_29 = tpu.memref_slice %arg6[%scan3A_8, %dma_wait3A_28] : memref<4x128xi32, #tpu.memory_space<vmem>> -> memref<1x128xi32, #tpu.memory_space<vmem>>
      %dma_wait3A_30 = tpu.memref_squeeze %dma_wait3A_29 : memref<1x128xi32, #tpu.memory_space<vmem>> -> memref<128xi32, #tpu.memory_space<vmem>>
      %dma_wait3A_31 = arith.constant 0 : i32
      %dma_wait3A_32 = arith.constant 0 : i32
      %dma_wait3A_33 = tpu.memref_slice %arg3[%dma_wait3A_31, %dma_wait3A_32] : memref<100000x384xf32, #tpu.memory_space<hbm>> -> memref<100000x384xf32, #tpu.memory_space<hbm>>
      tpu.wait_indirect_dma semaphore(%arg8 : memref<!tpu.dma_semaphore, #tpu.memory_space<semaphore_mem>>) src(%dma_wait3A_33 : memref<100000x384xf32, #tpu.memory_space<hbm>>) dst(%dma_wait3A_27 : memref<128x384xf32, #tpu.memory_space<vmem>>)
      %dma_wait3A_34 = arith.constant 0 : i32
      %dma_wait3A_35 = arith.constant 384 : i32
      %dma_wait3A_36 = tpu.memref_slice %arg7[%dma_wait3A_34, %dma_wait3A_35] : memref<128x896xf32, #tpu.memory_space<vmem>> -> memref<128x512xf32, #tpu.memory_space<vmem>>
      %dma_wait3A_37 = arith.constant 0 : i32
      %dma_wait3A_38 = tpu.memref_slice %arg6[%scan3A_8, %dma_wait3A_37] : memref<4x128xi32, #tpu.memory_space<vmem>> -> memref<1x128xi32, #tpu.memory_space<vmem>>
      %dma_wait3A_39 = tpu.memref_squeeze %dma_wait3A_38 : memref<1x128xi32, #tpu.memory_space<vmem>> -> memref<128xi32, #tpu.memory_space<vmem>>
      %dma_wait3A_40 = arith.constant 0 : i32
      %dma_wait3A_41 = arith.constant 0 : i32
      %dma_wait3A_42 = tpu.memref_slice %arg4[%dma_wait3A_40, %dma_wait3A_41] : memref<100000x512xf32, #tpu.memory_space<hbm>> -> memref<100000x512xf32, #tpu.memory_space<hbm>>
      tpu.wait_indirect_dma semaphore(%arg8 : memref<!tpu.dma_semaphore, #tpu.memory_space<semaphore_mem>>) src(%dma_wait3A_42 : memref<100000x512xf32, #tpu.memory_space<hbm>>) dst(%dma_wait3A_36 : memref<128x512xf32, #tpu.memory_space<vmem>>)
      %mul3A_43 = arith.constant 128 : i32
      %mul3A_44 = arith.muli %scan3A_8, %mul3A_43 : i32
      %add3A_45 = arith.addi %mul3A_2, %mul3A_44 : i32
      %multiple_of3A = tpu.assume_multiple %add3A_45, 128 : i32
      %dma_start3A_46 = arith.constant 0 : i32
      %dma_start3A_47 = tpu.memref_slice %arg5[%multiple_of3A, %dma_start3A_46] : memref<16384x896xf32, #tpu.memory_space<hbm>> -> memref<128x896xf32, #tpu.memory_space<hbm>>
      %dma_start3A_48 = arith.constant 0 : i32
      %dma_start3A_49 = tpu.memref_slice %arg5[%multiple_of3A, %dma_start3A_48] : memref<16384x896xf32, #tpu.memory_space<hbm>> -> memref<128x896xf32, #tpu.memory_space<hbm>>
      tpu.enqueue_dma source(%arg7 : memref<128x896xf32, #tpu.memory_space<vmem>>) target(%dma_start3A_49 : memref<128x896xf32, #tpu.memory_space<hbm>>) target_semaphore(%arg9 : memref<!tpu.dma_semaphore, #tpu.memory_space<semaphore_mem>>)
      %dma_wait3A_50 = arith.constant 0 : i32
      %dma_wait3A_51 = tpu.memref_slice %arg5[%multiple_of3A, %dma_wait3A_50] : memref<16384x896xf32, #tpu.memory_space<hbm>> -> memref<128x896xf32, #tpu.memory_space<hbm>>
      %dma_wait3A_52 = arith.constant 0 : i32
      %dma_wait3A_53 = tpu.memref_slice %arg5[%multiple_of3A, %dma_wait3A_52] : memref<16384x896xf32, #tpu.memory_space<hbm>> -> memref<128x896xf32, #tpu.memory_space<hbm>>
      tpu.wait_dma2 semaphore(%arg9 : memref<!tpu.dma_semaphore, #tpu.memory_space<semaphore_mem>>) src(%arg7 : memref<128x896xf32, #tpu.memory_space<vmem>>) dst(%dma_wait3A_53 : memref<128x896xf32, #tpu.memory_space<hbm>>)
    }
    %scan3A_7 = arith.constant 4 : i32
    return
  }
}

</mosaic_0001>

<sc_bundles>
// kernel: _encode.3.cloned.1.call-start
scs
__scs_entry_jumppad:
0x0: {  	(pc) =	sbr.rel $0x88, $3  }
0x1: {  	(tag) =	ssettag $0x0;
	lr =	simm.s32 $0x1  }
0x2: {  	[smem:$0x3F9E] =	sst lr;
	_ =	strace $0xD0000000  }
0x3: {  	_ = 	snop  }
0x4: {  	_ = 	snop  }
0x5: {  	_ = 	snop  }
0x6: {  	_ = 	snop  }
0x7: {  	_ = 	snop  }
__scs_overlays_trampoline_lowered:
0x8: {  	[smem:$0x3FAD] =	sst s0  }
0x9: {  	[smem:$0x3FAE] =	sst s1  }
0xa: {  	[smem:$0x3FAF] =	sst s2  }
0xb: {  	[smem:$0x3FB0] =	sst s3  }
0xc: {  	[smem:$0x3FB1] =	sst s4  }
0xd: {  	[smem:$0x3FB2] =	sst s5  }
0xe: {  	[smem:$0x3FB3] =	sst s6  }
0xf: {  	[smem:$0x3FB4] =	sst s7  }
0x10: {  	[smem:$0x3FB5] =	sst s8  }
0x11: {  	[smem:$0x3FB6] =	sst s9;
	s0 =	simm.s32 @!p0 $0x0  }
0x12: {  	s1 =	sld [smem:$0x3F9C];
	s0 =	simm.s32 @p0 $0x1  }
0x13: {  	[smem:$0x3FB7] =	sst s0;
	s0 =	simm.s32 @!p1 $0x0  }
0x14: {  	s2 =	sld [smem:$0x3F9B];
	s0 =	simm.s32 @p1 $0x1  }
0x15: {  	[smem:$0x3FB8] =	sst s0;
	s0 =	simm.s32 @!p2 $0x0  }
0x16: {  	s3 =	sld [smem:$0x3FDB];
	s0 =	simm.s32 @p2 $0x1  }
0x17: {  	s4 =	simm.s32 $0x1BF5;
	[smem:$0x3FBA] =	sst s0  }
0x18: {  	s0 =	sld [smem:$0x3F9D];
	_ =	swait.ge [sflag:s4], $0x0  }
0x19: {  	s7 =	sld [smem:$0x3F9E]  }
0x1a: {  	s8 =	sadd.s32 $0xFFFFE003, lr  }
0x1b: {  	s9 =	sadd.s32 $0xFFFFFEF7, lr;
	s5 =	simm.s32 $0xFFFFFFFF;
	p2 =	slt.u32 s8, $0xFFFFF086  }
0x1c: {  	p1 =	slt.u32 s9, $0xF7A;
	s5 =	simm.s32 @!p2 $0x0  }
0x1d: {  	s5 =	simm.s32 @p1 $0x1;
	p0 =	seq.s32 s7, s2  }
0x1e: {  	s7 =	smul.u32 @!p0 $0xF7A, s2;
	p2 =	seq.s32 @!p0 s5, $0x0  }
0x1f: {  	s9 =	smul.u32 $0xF7A, s1;
	s8 =	simm.s32 @!p0 $0x1BF5;
	p2 =	por !p2, p0  }
0x20: {  	[sflag:s8] =	ssyncset.s32 @!p0 $0xFFFFF086;
	s6 =	sadd.s32 @!p0 s3, s7;
	s7 =	simm.s32 @!p0 $0x108  }
0x21: {  	s3 =	sadd.s32 s3, s9;
	s6 =	sadd.s32 @!p0 $0x88, s6;
	s7 =	simm.s32 @p2 $0x1082  }
0x22: {  	[simem:s7], [sflag:s8] =	dma.local @!p0 [hbm:s6], $0xF7A  }
0x23: {  	s9 =	sor.u32 $0xD0000000, s2;
	s6 =	simm.s32 $0x108;
	_ =	swait.ge @!p0 [sflag:s8], $0x0  }
0x24: {  	s3 =	sadd.s32 $0x88, s3;
	s6 =	simm.s32 @!p1 $0x1082;
	[sflag:s4] =	ssyncset.s32 $0xFFFFF086  }
0x25: {  	[simem:s6], [sflag:s4] =	dma.local [hbm:s3], $0xF7A  }
0x26: {  	[smem:$0x3F9E] =	sst s1;
	(tag) =	ssettag s2;
	_ =	strace s9  }
0x27: {  	s1 =	sld [smem:$0x3FAE]  }
0x28: {  	s2 =	sld [smem:$0x3FAF]  }
0x29: {  	s4 =	sld [smem:$0x3FB1]  }
0x2a: {  	p0 =	seq.s32 s5, $0x0;
	s5 =	sld [smem:$0x3FB2]  }
0x2b: {  	s6 =	sld [smem:$0x3FB3]  }
0x2c: {  	s7 =	sld [smem:$0x3FB4]  }
0x2d: {  	s3 =	simm.s32 $0x108;
	s8 =	sld [smem:$0x3FB5]  }
0x2e: {  	s3 =	simm.s32 @!p0 $0x1082;
	s9 =	sld [smem:$0x3FB6]  }
0x2f: {  	lr =	sadd.s32 s0, s3;
	s0 =	sld [smem:$0x3FAD]  }
0x30: {  	s3 =	sld [smem:$0x3FB0]  }
0x31: {  	[smem:$0x3FB9] =	sst s10  }
0x32: {  	s10 =	sld [smem:$0x3FB7];
	_ =	sdelay $0x3  }
0x33: {  	p0 =	seq.s32 s10, $0x1;
	s10 =	sld [smem:$0x3FB9];
	_ =	sdelay $0x3  }
0x34: {  	[smem:$0x3FB9] =	sst s10  }
0x35: {  	s10 =	sld [smem:$0x3FB8];
	_ =	sdelay $0x3  }
0x36: {  	p1 =	seq.s32 s10, $0x1;
	s10 =	sld [smem:$0x3FB9];
	_ =	sdelay $0x3  }
0x37: {  	[smem:$0x3FB9] =	sst s10  }
0x38: {  	s10 =	sld [smem:$0x3FBA]  }
0x39: {  	_ = 	snop;
	(pc) =	sbr.ind lr, $3  }
0x3a: {  	_ = 	snop  }
0x3b: {  	_ = 	snop  }
0x3c: {  	p2 =	seq.s32 s10, $0x1;
	s10 =	sld [smem:$0x3FB9]  }
0x3d: {  	_ =	shalt  }
0x3e: {  	_ =	shalt  }
0x3f: {  	_ =	shalt  }
0x40: {  	_ =	shalt  }
0x41: {  	_ =	shalt  }
0x42: {  	_ =	shalt  }
0x43: {  	_ =	shalt  }
0x44: {  	_ =	shalt  }
0x45: {  	_ =	shalt  }
0x46: {  	_ =	shalt  }
0x47: {  	_ =	shalt  }
0x48: {  	_ =	shalt  }
0x49: {  	_ =	shalt  }
0x4a: {  	_ =	shalt  }
0x4b: {  	_ =	shalt  }
0x4c: {  	_ =	shalt  }
0x4d: {  	_ =	shalt  }
0x4e: {  	_ =	shalt  }
0x4f: {  	_ =	shalt  }
0x50: {  	_ =	shalt  }
0x51: {  	_ =	shalt  }
0x52: {  	_ =	shalt  }
0x53: {  	_ =	shalt  }
0x54: {  	_ =	shalt  }
0x55: {  	_ =	shalt  }
0x56: {  	_ =	shalt  }
0x57: {  	_ =	shalt  }
0x58: {  	_ =	shalt  }
0x59: {  	_ =	shalt  }
0x5a: {  	_ =	shalt  }
0x5b: {  	_ =	shalt  }
0x5c: {  	_ =	shalt  }
0x5d: {  	_ =	shalt  }
0x5e: {  	_ =	shalt  }
0x5f: {  	_ =	shalt  }
0x60: {  	_ =	shalt  }
0x61: {  	_ =	shalt  }
0x62: {  	_ =	shalt  }
0x63: {  	_ =	shalt  }
0x64: {  	_ =	shalt  }
0x65: {  	_ =	shalt  }
0x66: {  	_ =	shalt  }
0x67: {  	_ =	shalt  }
0x68: {  	_ =	shalt  }
0x69: {  	_ =	shalt  }
0x6a: {  	_ =	shalt  }
0x6b: {  	_ =	shalt  }
0x6c: {  	_ =	shalt  }
0x6d: {  	_ =	shalt  }
0x6e: {  	_ =	shalt  }
0x6f: {  	_ =	shalt  }
0x70: {  	_ =	shalt  }
0x71: {  	_ =	shalt  }
0x72: {  	_ =	shalt  }
0x73: {  	_ =	shalt  }
0x74: {  	_ =	shalt  }
0x75: {  	_ =	shalt  }
0x76: {  	_ =	shalt  }
0x77: {  	_ =	shalt  }
0x78: {  	_ =	shalt  }
0x79: {  	_ =	shalt  }
0x7a: {  	_ =	shalt  }
0x7b: {  	_ =	shalt  }
0x7c: {  	_ =	shalt  }
0x7d: {  	_ =	shalt  }
0x7e: {  	_ =	shalt  }
0x7f: {  	_ =	shalt  }
0x80: {  	_ =	shalt  }
0x81: {  	_ =	shalt  }
0x82: {  	_ =	shalt  }
0x83: {  	_ =	shalt  }
0x84: {  	_ =	shalt  }
0x85: {  	_ =	shalt  }
0x86: {  	_ =	shalt  }
0x87: {  	_ =	shalt  }
.Lfunc_end0:
.L_simem_size_0:
called_computation_lowered:
.L_overlay_start_0:
0x88: {  	s2 =	sld [smem:$0x3FD9]  }
0x89: {  	s3 =	sld [smem:$0x3FFE];
	_ =	sdelay $0x1  }
0x8a: {  	s1 =	srdreg.scid  }
0x8b: {  	s0 =	sand.u32 $0x1, s1  }
0x8c: {  	s18 =	sshll.u32 s0, $0xA;
	s2 =	sadd.s32 s3, s2  }
0x8d: {  	s2 =	sadd.s32 s2, s18  }
0x8e: {  	[smem:$0x3FC5] =	sst s2  }
0x8f: {  	_ = 	snop  }
0x90: {  	s2 =	sld [smem:$0x3FC9]  }
0x91: {  	s19 =	sld [smem:$0x3FC8]  }
0x92: {  	s4 =	sld [smem:$0x3FC7]  }
0x93: {  	s5 =	sld [smem:$0x3FD0];
	(tm) =	ssettm $0x1  }
0x94: {  	s6 =	sld [smem:$0x3FFB];
	_ =	sdelay $0x3  }
0x95: {  	_ =	strace s6  }
0x96: {  	s6 =	sld [smem:$0x3FFC];
	_ =	sdelay $0x3  }
0x97: {  	_ =	strace s6  }
0x98: {  	s6 =	sld [smem:$0x3FFD];
	_ =	sdelay $0x3  }
0x99: {  	_ =	strace s6  }
0x9a: {  	_ =	strace $0x8FFFFFFF  }
0x9b: {  	s20 =	sld [smem:$0x3FDB];
	_ =	sdelay $0x1  }
0x9c: {  	s7 =	simm.s32 $_scs_section_size  }
0x9d: {  	s8 =	simm.s32 $_size__tile_overlayer_lowered;
	s9 =	simm.s32 $_tile_overlayer_lowered  }
0x9e: {  	s23 =	simm.s32 $0x1BFF;
	s22 =	sshll.u32 s9, $0x1;
	s6 =	sadd.s32 s7, s20  }
0x9f: {  	s10 =	simm.s32 $0x0;
	s21 =	sshll.u32 s8, $0x1;
	s8 =	sadd.s32 s22, s6  }
0xa0: {  	[timem:s10], [sflag:s23] =	dma.local [hbm:s8], s21  }
0xa1: {  	_ =	swait.ge [sflag:s23], s21  }
0xa2: {  	s7 =	ssub.s32 $0x0, s21;
	[sflag:s23] =	ssyncset.done $0x0  }
0xa3: {  	[sflag:s23] =	ssyncadd.s32 s7;
	_ =	sdelay $0x1  }
0xa4: {  	s24 =	simm.s32 $0x1B8B  }
0xa5: {  	_ =	swait.ge [sflag:s24], $0x1  }
0xa6: {  	[sflag:s24] =	ssyncset.done $0x0  }
0xa7: {  	s25 =	simm.s32 $0x1B8E;
	[sflag:s24] =	ssyncadd.s32 $0xFFFFFFFF  }
0xa8: {  	s26 =	simm.s32 $execute0_lowered;
	[smem:$0x3FD2] =	sst s25  }
0xa9: {  	s7 =	sshll.u32 s26, $0x1;
	_ =	strace $0x80000046;
	[dreg:$0x1] =	wrdreg $0xFFFFFFFF  }
0xaa: {  	s28 =	simm.s32 $_size_execute0_lowered;
	s6 =	sadd.s32 s6, s7;
	[dreg:$0x0] =	wrdreg $0x0  }
0xab: {  	s7 =	sshll.u32 s28, $0x1;
	[dreg:$0x2] =	wrdreg s6  }
0xac: {  	[dreg:$0x3] =	wrdreg s7  }
0xad: {  	[dreg:$0x4] =	wrdreg $0xC0  }
0xae: {  	_ =	task [dreg:s10], $0x5FFFF  }
0xaf: {  	[dreg:$0x1] =	wrdreg $0xFFFFFFFF  }
0xb0: {  	[dreg:$0x0] =	wrdreg $0x60  }
0xb1: {  	[dreg:$0x2] =	wrdreg s2  }
0xb2: {  	[dreg:$0x3] =	wrdreg s19  }
0xb3: {  	[dreg:$0x4] =	wrdreg s4  }
0xb4: {  	[dreg:$0x5] =	wrdreg s5  }
0xb5: {  	[dreg:$0x6] =	wrdreg $0x9  }
0xb6: {  	_ =	task.clear_ibuf [dreg:s10], $0x7FFFF;
	_ =	strace $0x90000046  }
0xb7: {  	s29 =	simm.s32 $0x9;
	_ =	strace $0x80000048  }
0xb8: {  	_ =	swait.ge [sflag:s29], $0x1  }
0xb9: {  	[sflag:s29] =	ssyncadd.s32 $0xFFFFFFFF  }
0xba: {  	_ =	strace $0x90000048  }
0xbb: {  	_ =	sfence  }
0xbc: {  	s30 =	sld [smem:$0x0];
	_ =	sdelay $0x2  }
0xbd: {  	s31 =	sshll.u32 s1, $0xD;
	s1 =	sshrl.u32 s1, $0x2  }
0xbe: {  	s3 =	sand.u32 $0x4000, s31;
	s1 =	sadd.s32 s1, s30  }
0xbf: {  	s0 =	sor.u32 s3, s0;
	s1 =	sshll.u32 s1, $0x11  }
0xc0: {  	s0 =	sor.u32 s1, s0  }
0xc1: {  	s0 =	sadd.s32 $0x8F2B, s0  }
0xc2: {  	[sflag:s0] =	ssyncadd.remote.s32 $0x1  }
0xc3: {  	_ =	sfence.sel $0xFFFF  }
0xc4: {  	[dreg:$0x0] =	wrdreg $0xFFFFFFFF;
	(pc) =	sbr.abs _section_cstart, $3  }
0xc5: {  	[dreg:$0x1] =	wrdreg $0xFFFFFFFF  }
0xc6: {  	_ =	task.clear_ibuf [dreg:s10], $0x2FFFF;
	_ =	strace $0x9FFFFFFF  }
0xc7: {  	(tm) =	ssettm $0x7FFFFFFF  }
tec
execute0_lowered:
.L_overlay_start_1:
0x0: {  	(tag) =	ssettag $0x1  }
0x1: {  	s1 =	srdreg.scid;
	s0 =	rddreg [dreg:$0x0]  }
0x2: {  	s2 =	stileid.u32;
	s3 =	rddreg [dreg:$0x2];
	s5 =	sand.u32 $0x1, s1  }
0x3: {  	s6 =	rddreg [dreg:$0x3];
	s2 =	sshll.u32 s2, $0xA;
	s4 =	sshll.u32 s5, $0x9  }
0x4: {  	s1 =	rddreg [dreg:$0x1];
	s2 =	sor.u32 s4, s2;
	s4 =	simm.s32 $0x0  }
0x5: {  	s20 =	simm.s32 $0xA00;
	[smem:$0x7FF] =	sst s4  }
0x6: {  	s21 =	simm.s32 $0x1E00;
	_ =	strace $0x80000047;
	[dreg:$0x6] =	wrdreg s20  }
0x7: {  	s22 =	simm.s32 $0x2600;
	[dreg:$0x7] =	wrdreg s21  }
0x8: {  	s23 =	simm.s32 $0x3A00;
	[dreg:$0x8] =	wrdreg s22  }
0x9: {  	s24 =	simm.s32 $0x4200;
	[dreg:$0x9] =	wrdreg s23  }
0xa: {  	s25 =	simm.s32 $0x5600;
	[dreg:$0xa] =	wrdreg s24  }
0xb: {  	s26 =	simm.s32 $0x5E00;
	[dreg:$0xb] =	wrdreg s25  }
0xc: {  	s8 =	simm.s32 $0x7A00;
	[dreg:$0xc] =	wrdreg s26  }
0xd: {  	s9 =	simm.s32 $0x8E00;
	[dreg:$0xe] =	wrdreg s8  }
0xe: {  	s10 =	simm.s32 $0x9600;
	[dreg:$0xf] =	wrdreg s9  }
0xf: {  	s11 =	simm.s32 $0xAA00;
	[dreg:$0x10] =	wrdreg s10  }
0x10: {  	s12 =	simm.s32 $0xB200;
	[dreg:$0x11] =	wrdreg s11  }
0x11: {  	s13 =	simm.s32 $0xC600;
	[dreg:$0x12] =	wrdreg s12  }
0x12: {  	s14 =	simm.s32 $0xCE00;
	[dreg:$0x13] =	wrdreg s13  }
0x13: {  	s15 =	simm.s32 $0xE200;
	[dreg:$0x14] =	wrdreg s14  }
0x14: {  	s16 =	simm.s32 $0xEA00;
	[dreg:$0x15] =	wrdreg s15  }
0x15: {  	s17 =	simm.s32 $0xFE00;
	[dreg:$0x16] =	wrdreg s16  }
0x16: {  	s18 =	simm.s32 $0x10600;
	[dreg:$0x17] =	wrdreg s17  }
0x17: {  	s19 =	simm.s32 $0x11A00;
	[dreg:$0x18] =	wrdreg s18  }
0x18: {  	[dreg:$0x19] =	wrdreg s19;
	s20 =	simm.s32 $0x12200  }
0x19: {  	s21 =	simm.s32 $0x13600;
	[dreg:$0x1a] =	wrdreg s20  }
0x1a: {  	s22 =	simm.s32 $0x13E00;
	[dreg:$0x1b] =	wrdreg s21  }
0x1b: {  	s23 =	simm.s32 $0x15200;
	[dreg:$0x1c] =	wrdreg s22  }
0x1c: {  	s24 =	simm.s32 $0x15A00;
	[dreg:$0x1d] =	wrdreg s23  }
0x1d: {  	s25 =	simm.s32 $0x16E00;
	[dreg:$0x1e] =	wrdreg s24  }
0x1e: {  	s26 =	simm.s32 $0x17600;
	[dreg:$0x1f] =	wrdreg s25  }
0x1f: {  	s8 =	simm.s32 $0x19200;
	[smem:$0x7E9] =	sst s26  }
0x20: {  	s28 =	simm.s32 $0x1B200;
	s9 =	simm.s32 $0x1A600;
	[smem:$0x7EB] =	sst s8  }
0x21: {  	s29 =	simm.s32 $0x1BA00;
	s10 =	simm.s32 $0x1AE00;
	[smem:$0x7EC] =	sst s9  }
0x22: {  	s30 =	simm.s32 $0x1;
	s11 =	simm.s32 $0xE00;
	[smem:$0x7ED] =	sst s10  }
0x23: {  	s31 =	simm.s32 $0x2;
	s12 =	simm.s32 $0x1600;
	[smem:$0x7EE] =	sst s11  }
0x24: {  	s5 =	ssub.s32 $0x2, s5;
	s13 =	simm.s32 $0x2A00;
	[smem:$0x7EF] =	sst s12  }
0x25: {  	s2 =	sshrl.u32 s2, $0x3;
	s14 =	simm.s32 $0x3200;
	[smem:$0x7F0] =	sst s13  }
0x26: {  	s7 =	smul.u32 $0x380, s2;
	s15 =	simm.s32 $0x4600;
	[smem:$0x7F1] =	sst s14  }
0x27: {  	s16 =	simm.s32 $0x4E00;
	s17 =	simm.s32 $0x6200;
	[smem:$0x7F2] =	sst s15  }
0x28: {  	s18 =	simm.s32 $0x6A00;
	s19 =	sshrl.u32 s5, $0x1;
	[smem:$0x7F3] =	sst s16  }
0x29: {  	s0 =	sadd.s32 s0, s2;
	s2 =	simm.s32 $0x0;
	[smem:$0x7F4] =	sst s17  }
0x2a: {  	[smem:$0x7F5] =	sst s18;
	s20 =	simm.s32 $0x7E00;
	s5 =	ssub.s32 s5, s19  }
0x2b: {  	s21 =	simm.s32 $0x8600;
	[smem:$0x7F7] =	sst s0;
	s22 =	simm.s32 $0x9A00  }
0x2c: {  	s23 =	simm.s32 $0xA200;
	s24 =	simm.s32 $0xB600;
	s26 =	simm.s32 $0xBE00  }
0x2d: {  	s10 =	simm.s32 $0x200;
	s11 =	simm.s32 $0xD200;
	s12 =	simm.s32 $0xDA00  }
0x2e: {  	s13 =	simm.s32 $0xEE00;
	s14 =	simm.s32 $0xF600;
	[smem:$0x7F6] =	sst s20  }
0x2f: {  	s15 =	simm.s32 $0x10A00;
	s16 =	simm.s32 $0x11200;
	[smem:$0x7F8] =	sst s21  }
0x30: {  	s17 =	simm.s32 $0x12600;
	s18 =	simm.s32 $0x12E00;
	[smem:$0x7F9] =	sst s22  }
0x31: {  	s19 =	simm.s32 $0x14200;
	s6 =	sadd.s32 s7, s6;
	[smem:$0x7FA] =	sst s23  }
0x32: {  	s7 =	simm.s32 $0x7200;
	s25 =	smax.u32 s5, $0x1;
	[smem:$0x7FC] =	sst s24  }
0x33: {  	[smem:$0x7FD] =	sst s26;
	s20 =	simm.s32 $0x14A00;
	s21 =	simm.s32 $0x15E00  }
0x34: {  	s22 =	simm.s32 $0x16600;
	s23 =	simm.s32 $0x17A00;
	[dreg:$0x5] =	wrdreg s6  }
0x35: {  	v2 =	vlaneseq.u32;
	s24 =	simm.s32 $0x18200;
	s26 =	simm.s32 $0x19E00;
	[dreg:$0xd] =	wrdreg s7  }
0x36: {  	vm0 =	vmmov $0xffff;
	vm1 =	vmmov $0xff;
	v1 =	vshrl.u32 v2, $0x3;
	s7 =	simm.s32 $0x18A00;
	s6 =	sadd.s32 $0x100, s1;
	[smem:$0x7FB] =	sst s25  }
0x37: {  	v0 =	vand.u32 $0x7, v2;
	v2 =	vor.u32 $0x8, v2;
	v1 =	vmul.u32 $0x8, v1;
	s25 =	simm.s32 $0x19600;
	[smem:$0x7EA] =	sst s7;
	s7 =	sadd.s32 $0x100, s3  }
.LBB2_1:
0x38: {  	s0 =	sld [smem:$0x7F7];
	_ =	sdelay $0x1  }
0x39: {  	s9 =	simm.s32 $0x3  }
0x3a: {  	[tilespmem:s4], [sflag:$0x3] =	stream.linear.gather [hbm4b:s0+s4], $0x200, $0x38;
	[tilespmem:$0x1C200] =	vst v63  }
0x3b: {  	_ =	swait.ge [sflag:s9], $0x200  }
0x3c: {  	[sflag:s9] =	ssyncset.done $0x0  }
0x3d: {  	s5 =	simm.s32 $0x0;
	s0 =	simm.s32 $0x40;
	[sflag:s9] =	ssyncadd.s32 $0xFFFFFE00  }
.LBB2_2:
0x3e: {  	v3 =	vld [tilespmem:s0+$0xFFFFFFC0];
	_ =	sdelay $0x4  }
0x3f: {  	v4 =	vshrl.u32 v3, $0x3  }
0x40: {  	v4 =	vmul.u32 $0x18, v4  }
0x41: {  	v3 =	vand.u32 $0x7, v3  }
0x42: {  	v3 =	vor.u32 v3, v4  }
0x43: {  	v4 =	vperm.xlane v3, v0;
	_ =	sdelay $0x1  }
0x44: {  	v4 =	vadd.s32 v1, v4;
	_ =	sdelay $0x1  }
0x45: {  	v3 =	vperm.xlane v3, v2;
	_ =	sdelay $0x1  }
0x46: {  	v3 =	vadd.s32 v1, v3  }
0x47: {  	[tilespmem:s10], [sflag:$0x1] =	stream.indirect_vreg.gather [hbm4b:s1+s4], $0x80, v4, vm0, $0xb8;
	[tilespmem:$0x1C200] =	vst v63  }
0x48: {  	s8 =	rddreg [dreg:$0x6]  }
0x49: {  	[tilespmem:s8], [sflag:$0x1] =	stream.indirect_vreg.gather [hbm4b:s6+s4], $0x80, v4, vm1, $0xb8;
	[tilespmem:$0x1C200] =	vst v63  }
0x4a: {  	s9 =	rddreg [dreg:$0x7]  }
0x4b: {  	[tilespmem:s9], [sflag:$0x1] =	stream.indirect_vreg.gather [hbm4b:s1+s4], $0x80, v3, vm0, $0xb8;
	[tilespmem:$0x1C200] =	vst v63  }
0x4c: {  	s8 =	rddreg [dreg:$0x8]  }
0x4d: {  	[tilespmem:s8], [sflag:$0x1] =	stream.indirect_vreg.gather [hbm4b:s6+s4], $0x80, v3, vm1, $0xb8;
	[tilespmem:$0x1C200] =	vst v63  }
0x4e: {  	v3 =	vld [tilespmem:s0+$0xFFFFFFD0];
	_ =	sdelay $0x4  }
0x4f: {  	v49 =	vshrl.u32 v3, $0x3  }
0x50: {  	v4 =	vmul.u32 $0x18, v49  }
0x51: {  	v3 =	vand.u32 $0x7, v3  }
0x52: {  	v3 =	vor.u32 v3, v4  }
0x53: {  	v4 =	vperm.xlane v3, v0;
	_ =	sdelay $0x1  }
0x54: {  	v4 =	vadd.s32 v1, v4;
	_ =	sdelay $0x1  }
0x55: {  	v3 =	vperm.xlane v3, v2;
	_ =	sdelay $0x1  }
0x56: {  	s8 =	rddreg [dreg:$0x9];
	v3 =	vadd.s32 v1, v3  }
0x57: {  	[tilespmem:s8], [sflag:$0x1] =	stream.indirect_vreg.gather [hbm4b:s1+s4], $0x80, v4, vm0, $0xb8;
	[tilespmem:$0x1C200] =	vst v63  }
0x58: {  	s9 =	rddreg [dreg:$0xa]  }
0x59: {  	[tilespmem:s9], [sflag:$0x1] =	stream.indirect_vreg.gather [hbm4b:s6+s4], $0x80, v4, vm1, $0xb8;
	[tilespmem:$0x1C200] =	vst v63  }
0x5a: {  	s8 =	rddreg [dreg:$0xb]  }
0x5b: {  	[tilespmem:s8], [sflag:$0x1] =	stream.indirect_vreg.gather [hbm4b:s1+s4], $0x80, v3, vm0, $0xb8;
	[tilespmem:$0x1C200] =	vst v63  }
0x5c: {  	s9 =	rddreg [dreg:$0xc]  }
0x5d: {  	[tilespmem:s9], [sflag:$0x1] =	stream.indirect_vreg.gather [hbm4b:s6+s4], $0x80, v3, vm1, $0xb8;
	[tilespmem:$0x1C200] =	vst v63  }
0x5e: {  	v3 =	vld [tilespmem:s0+$0xFFFFFFE0];
	_ =	sdelay $0x4  }
0x5f: {  	v50 =	vshrl.u32 v3, $0x3  }
0x60: {  	v4 =	vmul.u32 $0x18, v50  }
0x61: {  	v3 =	vand.u32 $0x7, v3  }
0x62: {  	v3 =	vor.u32 v3, v4  }
0x63: {  	v4 =	vperm.xlane v3, v0;
	_ =	sdelay $0x1  }
0x64: {  	v4 =	vadd.s32 v1, v4;
	_ =	sdelay $0x1  }
0x65: {  	v3 =	vperm.xlane v3, v2;
	_ =	sdelay $0x1  }
0x66: {  	s8 =	rddreg [dreg:$0xd];
	v3 =	vadd.s32 v1, v3  }
0x67: {  	[tilespmem:s8], [sflag:$0x1] =	stream.indirect_vreg.gather [hbm4b:s1+s4], $0x80, v4, vm0, $0xb8;
	[tilespmem:$0x1C200] =	vst v63  }
0x68: {  	s9 =	rddreg [dreg:$0xe]  }
0x69: {  	[tilespmem:s9], [sflag:$0x1] =	stream.indirect_vreg.gather [hbm4b:s6+s4], $0x80, v4, vm1, $0xb8;
	[tilespmem:$0x1C200] =	vst v63  }
0x6a: {  	s8 =	rddreg [dreg:$0xf]  }
0x6b: {  	[tilespmem:s8], [sflag:$0x1] =	stream.indirect_vreg.gather [hbm4b:s1+s4], $0x80, v3, vm0, $0xb8;
	[tilespmem:$0x1C200] =	vst v63  }
0x6c: {  	s9 =	rddreg [dreg:$0x10]  }
0x6d: {  	[tilespmem:s9], [sflag:$0x1] =	stream.indirect_vreg.gather [hbm4b:s6+s4], $0x80, v3, vm1, $0xb8;
	[tilespmem:$0x1C200] =	vst v63  }
0x6e: {  	v3 =	vld [tilespmem:s0+$0xFFFFFFF0];
	_ =	sdelay $0x4  }
0x6f: {  	v51 =	vshrl.u32 v3, $0x3  }
0x70: {  	v4 =	vmul.u32 $0x18, v51  }
0x71: {  	v3 =	vand.u32 $0x7, v3  }
0x72: {  	v3 =	vor.u32 v3, v4  }
0x73: {  	v4 =	vperm.xlane v3, v0;
	_ =	sdelay $0x1  }
0x74: {  	v4 =	vadd.s32 v1, v4;
	_ =	sdelay $0x1  }
0x75: {  	v3 =	vperm.xlane v3, v2;
	_ =	sdelay $0x1  }
0x76: {  	s8 =	rddreg [dreg:$0x11];
	v3 =	vadd.s32 v1, v3  }
0x77: {  	[tilespmem:s8], [sflag:$0x1] =	stream.indirect_vreg.gather [hbm4b:s1+s4], $0x80, v4, vm0, $0xb8;
	[tilespmem:$0x1C200] =	vst v63  }
0x78: {  	s9 =	rddreg [dreg:$0x12]  }
0x79: {  	[tilespmem:s9], [sflag:$0x1] =	stream.indirect_vreg.gather [hbm4b:s6+s4], $0x80, v4, vm1, $0xb8;
	[tilespmem:$0x1C200] =	vst v63  }
0x7a: {  	s8 =	rddreg [dreg:$0x13]  }
0x7b: {  	[tilespmem:s8], [sflag:$0x1] =	stream.indirect_vreg.gather [hbm4b:s1+s4], $0x80, v3, vm0, $0xb8;
	[tilespmem:$0x1C200] =	vst v63  }
0x7c: {  	s9 =	rddreg [dreg:$0x14]  }
0x7d: {  	[tilespmem:s9], [sflag:$0x1] =	stream.indirect_vreg.gather [hbm4b:s6+s4], $0x80, v3, vm1, $0xb8;
	[tilespmem:$0x1C200] =	vst v63  }
0x7e: {  	v3 =	vld [tilespmem:s0+$0x0];
	_ =	sdelay $0x4  }
0x7f: {  	v52 =	vshrl.u32 v3, $0x3  }
0x80: {  	v4 =	vmul.u32 $0x18, v52  }
0x81: {  	v3 =	vand.u32 $0x7, v3  }
0x82: {  	v3 =	vor.u32 v3, v4  }
0x83: {  	v4 =	vperm.xlane v3, v0;
	_ =	sdelay $0x1  }
0x84: {  	v4 =	vadd.s32 v1, v4;
	_ =	sdelay $0x1  }
0x85: {  	v3 =	vperm.xlane v3, v2;
	_ =	sdelay $0x1  }
0x86: {  	s8 =	rddreg [dreg:$0x15];
	v3 =	vadd.s32 v1, v3  }
0x87: {  	[tilespmem:s8], [sflag:$0x1] =	stream.indirect_vreg.gather [hbm4b:s1+s4], $0x80, v4, vm0, $0xb8;
	[tilespmem:$0x1C200] =	vst v63  }
0x88: {  	s9 =	rddreg [dreg:$0x16]  }
0x89: {  	[tilespmem:s9], [sflag:$0x1] =	stream.indirect_vreg.gather [hbm4b:s6+s4], $0x80, v4, vm1, $0xb8;
	[tilespmem:$0x1C200] =	vst v63  }
0x8a: {  	s8 =	rddreg [dreg:$0x17]  }
0x8b: {  	[tilespmem:s8], [sflag:$0x1] =	stream.indirect_vreg.gather [hbm4b:s1+s4], $0x80, v3, vm0, $0xb8;
	[tilespmem:$0x1C200] =	vst v63  }
0x8c: {  	s9 =	rddreg [dreg:$0x18]  }
0x8d: {  	[tilespmem:s9], [sflag:$0x1] =	stream.indirect_vreg.gather [hbm4b:s6+s4], $0x80, v3, vm1, $0xb8;
	[tilespmem:$0x1C200] =	vst v63  }
0x8e: {  	v3 =	vld [tilespmem:s0+$0x10];
	_ =	sdelay $0x4  }
0x8f: {  	v53 =	vshrl.u32 v3, $0x3  }
0x90: {  	v4 =	vmul.u32 $0x18, v53  }
0x91: {  	v3 =	vand.u32 $0x7, v3  }
0x92: {  	v3 =	vor.u32 v3, v4  }
0x93: {  	v4 =	vperm.xlane v3, v0;
	_ =	sdelay $0x1  }
0x94: {  	v4 =	vadd.s32 v1, v4;
	_ =	sdelay $0x1  }
0x95: {  	v3 =	vperm.xlane v3, v2;
	_ =	sdelay $0x1  }
0x96: {  	s8 =	rddreg [dreg:$0x19];
	v3 =	vadd.s32 v1, v3  }
0x97: {  	[tilespmem:s8], [sflag:$0x1] =	stream.indirect_vreg.gather [hbm4b:s1+s4], $0x80, v4, vm0, $0xb8;
	[tilespmem:$0x1C200] =	vst v63  }
0x98: {  	s9 =	rddreg [dreg:$0x1a]  }
0x99: {  	[tilespmem:s9], [sflag:$0x1] =	stream.indirect_vreg.gather [hbm4b:s6+s4], $0x80, v4, vm1, $0xb8;
	[tilespmem:$0x1C200] =	vst v63  }
0x9a: {  	s8 =	rddreg [dreg:$0x1b]  }
0x9b: {  	[tilespmem:s8], [sflag:$0x1] =	stream.indirect_vreg.gather [hbm4b:s1+s4], $0x80, v3, vm0, $0xb8;
	[tilespmem:$0x1C200] =	vst v63  }
0x9c: {  	s9 =	rddreg [dreg:$0x1c]  }
0x9d: {  	[tilespmem:s9], [sflag:$0x1] =	stream.indirect_vreg.gather [hbm4b:s6+s4], $0x80, v3, vm1, $0xb8;
	[tilespmem:$0x1C200] =	vst v63  }
0x9e: {  	v3 =	vld [tilespmem:s0+$0x20];
	_ =	sdelay $0x4  }
0x9f: {  	v54 =	vshrl.u32 v3, $0x3  }
0xa0: {  	v4 =	vmul.u32 $0x18, v54  }
0xa1: {  	v3 =	vand.u32 $0x7, v3  }
0xa2: {  	v3 =	vor.u32 v3, v4  }
0xa3: {  	v4 =	vperm.xlane v3, v0;
	_ =	sdelay $0x1  }
0xa4: {  	v4 =	vadd.s32 v1, v4;
	_ =	sdelay $0x1  }
0xa5: {  	v3 =	vperm.xlane v3, v2  }
0xa6: {  	s8 =	rddreg [dreg:$0x1d]  }
0xa7: {  	s9 =	rddreg [dreg:$0x1e];
	v3 =	vadd.s32 v1, v3  }
0xa8: {  	[tilespmem:s8], [sflag:$0x1] =	stream.indirect_vreg.gather [hbm4b:s1+s4], $0x80, v4, vm0, $0xb8;
	[tilespmem:$0x1C200] =	vst v63  }
0xa9: {  	s8 =	rddreg [dreg:$0x1f]  }
0xaa: {  	[tilespmem:s9], [sflag:$0x1] =	stream.indirect_vreg.gather [hbm4b:s6+s4], $0x80, v4, vm1, $0xb8;
	[tilespmem:$0x1C200] =	vst v63  }
0xab: {  	s9 =	sld [smem:$0x7E9]  }
0xac: {  	[tilespmem:s8], [sflag:$0x1] =	stream.indirect_vreg.gather [hbm4b:s1+s4], $0x80, v3, vm0, $0xb8;
	[tilespmem:$0x1C200] =	vst v63  }
0xad: {  	_ = 	snop  }
0xae: {  	[tilespmem:s9], [sflag:$0x1] =	stream.indirect_vreg.gather [hbm4b:s6+s4], $0x80, v3, vm1, $0xb8;
	[tilespmem:$0x1C200] =	vst v63  }
0xaf: {  	v3 =	vld [tilespmem:s0+$0x30];
	_ =	sdelay $0x4  }
0xb0: {  	v55 =	vshrl.u32 v3, $0x3  }
0xb1: {  	v4 =	vmul.u32 $0x18, v55  }
0xb2: {  	v3 =	vand.u32 $0x7, v3  }
0xb3: {  	v3 =	vor.u32 v3, v4  }
0xb4: {  	v4 =	vperm.xlane v3, v0;
	_ =	sdelay $0x1  }
0xb5: {  	v4 =	vadd.s32 v1, v4;
	_ =	sdelay $0x1  }
0xb6: {  	s8 =	sld [smem:$0x7EA];
	v3 =	vperm.xlane v3, v2;
	_ =	sdelay $0x1  }
0xb7: {  	s9 =	sld [smem:$0x7EB];
	v3 =	vadd.s32 v1, v3  }
0xb8: {  	[tilespmem:s8], [sflag:$0x1] =	stream.indirect_vreg.gather [hbm4b:s1+s4], $0x80, v4, vm0, $0xb8;
	[tilespmem:$0x1C200] =	vst v63  }
0xb9: {  	s8 =	sld [smem:$0x7EC]  }
0xba: {  	[tilespmem:s9], [sflag:$0x1] =	stream.indirect_vreg.gather [hbm4b:s6+s4], $0x80, v4, vm1, $0xb8;
	[tilespmem:$0x1C200] =	vst v63  }
0xbb: {  	s9 =	sld [smem:$0x7ED]  }
0xbc: {  	[tilespmem:s8], [sflag:$0x1] =	stream.indirect_vreg.gather [hbm4b:s1+s4], $0x80, v3, vm0, $0xb8;
	[tilespmem:$0x1C200] =	vst v63  }
0xbd: {  	_ = 	snop  }
0xbe: {  	[tilespmem:s9], [sflag:$0x1] =	stream.indirect_vreg.gather [hbm4b:s6+s4], $0x80, v3, vm1, $0xb8;
	[tilespmem:$0x1C200] =	vst v63  }
0xbf: {  	v3 =	vld [tilespmem:s0+$0xFFFFFFC0];
	_ =	sdelay $0x4  }
0xc0: {  	v56 =	vshll.u32 v3, $0x2  }
0xc1: {  	v3 =	vand.u32 $0x7, v3;
	v4 =	vand.u32 $0xFFFFFFE0, v56  }
0xc2: {  	v3 =	vor.u32 v3, v4  }
0xc3: {  	v4 =	vperm.xlane v3, v0;
	_ =	sdelay $0x1  }
0xc4: {  	v4 =	vadd.s32 v1, v4;
	_ =	sdelay $0x1  }
0xc5: {  	s8 =	sld [smem:$0x7EE];
	v3 =	vperm.xlane v3, v2;
	_ =	sdelay $0x1  }
0xc6: {  	s9 =	sld [smem:$0x7EF];
	v3 =	vadd.s32 v1, v3  }
0xc7: {  	[tilespmem:s8], [sflag:$0x1] =	stream.indirect_vreg.gather [hbm4b:s3+s4], $0x80, v4, vm0, $0xb8;
	[tilespmem:$0x1C200] =	vst v63  }
0xc8: {  	s8 =	sld [smem:$0x7F0]  }
0xc9: {  	[tilespmem:s9], [sflag:$0x1] =	stream.indirect_vreg.gather [hbm4b:s7+s4], $0x80, v4, vm0, $0xb8;
	[tilespmem:$0x1C200] =	vst v63  }
0xca: {  	s9 =	sld [smem:$0x7F1]  }
0xcb: {  	[tilespmem:s8], [sflag:$0x1] =	stream.indirect_vreg.gather [hbm4b:s3+s4], $0x80, v3, vm0, $0xb8;
	[tilespmem:$0x1C200] =	vst v63  }
0xcc: {  	_ = 	snop  }
0xcd: {  	[tilespmem:s9], [sflag:$0x1] =	stream.indirect_vreg.gather [hbm4b:s7+s4], $0x80, v3, vm0, $0xb8;
	[tilespmem:$0x1C200] =	vst v63  }
0xce: {  	v3 =	vld [tilespmem:s0+$0xFFFFFFD0];
	_ =	sdelay $0x4  }
0xcf: {  	v57 =	vshll.u32 v3, $0x2  }
0xd0: {  	v3 =	vand.u32 $0x7, v3;
	v4 =	vand.u32 $0xFFFFFFE0, v57  }
0xd1: {  	v3 =	vor.u32 v3, v4  }
0xd2: {  	v4 =	vperm.xlane v3, v0;
	_ =	sdelay $0x1  }
0xd3: {  	v4 =	vadd.s32 v1, v4;
	_ =	sdelay $0x1  }
0xd4: {  	s8 =	sld [smem:$0x7F2];
	v3 =	vperm.xlane v3, v2;
	_ =	sdelay $0x1  }
0xd5: {  	s9 =	sld [smem:$0x7F3];
	v3 =	vadd.s32 v1, v3  }
0xd6: {  	[tilespmem:s8], [sflag:$0x1] =	stream.indirect_vreg.gather [hbm4b:s3+s4], $0x80, v4, vm0, $0xb8;
	[tilespmem:$0x1C200] =	vst v63  }
0xd7: {  	s8 =	sld [smem:$0x7F4]  }
0xd8: {  	[tilespmem:s9], [sflag:$0x1] =	stream.indirect_vreg.gather [hbm4b:s7+s4], $0x80, v4, vm0, $0xb8;
	[tilespmem:$0x1C200] =	vst v63  }
0xd9: {  	s9 =	sld [smem:$0x7F5]  }
0xda: {  	[tilespmem:s8], [sflag:$0x1] =	stream.indirect_vreg.gather [hbm4b:s3+s4], $0x80, v3, vm0, $0xb8;
	[tilespmem:$0x1C200] =	vst v63  }
0xdb: {  	_ = 	snop  }
0xdc: {  	[tilespmem:s9], [sflag:$0x1] =	stream.indirect_vreg.gather [hbm4b:s7+s4], $0x80, v3, vm0, $0xb8;
	[tilespmem:$0x1C200] =	vst v63  }
0xdd: {  	v3 =	vld [tilespmem:s0+$0xFFFFFFE0];
	_ =	sdelay $0x4  }
0xde: {  	v58 =	vshll.u32 v3, $0x2  }
0xdf: {  	v3 =	vand.u32 $0x7, v3;
	v4 =	vand.u32 $0xFFFFFFE0, v58  }
0xe0: {  	v3 =	vor.u32 v3, v4  }
0xe1: {  	v4 =	vperm.xlane v3, v0;
	_ =	sdelay $0x1  }
0xe2: {  	v4 =	vadd.s32 v1, v4;
	_ =	sdelay $0x1  }
0xe3: {  	s8 =	sld [smem:$0x7F6];
	v3 =	vperm.xlane v3, v2;
	_ =	sdelay $0x1  }
0xe4: {  	s9 =	sld [smem:$0x7F8];
	v3 =	vadd.s32 v1, v3  }
0xe5: {  	[tilespmem:s8], [sflag:$0x1] =	stream.indirect_vreg.gather [hbm4b:s3+s4], $0x80, v4, vm0, $0xb8;
	[tilespmem:$0x1C200] =	vst v63  }
0xe6: {  	s8 =	sld [smem:$0x7F9]  }
0xe7: {  	[tilespmem:s9], [sflag:$0x1] =	stream.indirect_vreg.gather [hbm4b:s7+s4], $0x80, v4, vm0, $0xb8;
	[tilespmem:$0x1C200] =	vst v63  }
0xe8: {  	s9 =	sld [smem:$0x7FA]  }
0xe9: {  	[tilespmem:s8], [sflag:$0x1] =	stream.indirect_vreg.gather [hbm4b:s3+s4], $0x80, v3, vm0, $0xb8;
	[tilespmem:$0x1C200] =	vst v63  }
0xea: {  	_ = 	snop  }
0xeb: {  	[tilespmem:s9], [sflag:$0x1] =	stream.indirect_vreg.gather [hbm4b:s7+s4], $0x80, v3, vm0, $0xb8;
	[tilespmem:$0x1C200] =	vst v63  }
0xec: {  	v3 =	vld [tilespmem:s0+$0xFFFFFFF0];
	_ =	sdelay $0x4  }
0xed: {  	v59 =	vshll.u32 v3, $0x2  }
0xee: {  	v3 =	vand.u32 $0x7, v3;
	v4 =	vand.u32 $0xFFFFFFE0, v59  }
0xef: {  	v3 =	vor.u32 v3, v4  }
0xf0: {  	v4 =	vperm.xlane v3, v0;
	_ =	sdelay $0x1  }
0xf1: {  	v4 =	vadd.s32 v1, v4;
	_ =	sdelay $0x1  }
0xf2: {  	s8 =	sld [smem:$0x7FC];
	v3 =	vperm.xlane v3, v2;
	_ =	sdelay $0x1  }
0xf3: {  	s9 =	sld [smem:$0x7FD];
	v3 =	vadd.s32 v1, v3  }
0xf4: {  	[tilespmem:s8], [sflag:$0x1] =	stream.indirect_vreg.gather [hbm4b:s3+s4], $0x80, v4, vm0, $0xb8;
	[tilespmem:$0x1C200] =	vst v63  }
0xf5: {  	_ = 	snop  }
0xf6: {  	[tilespmem:s9], [sflag:$0x1] =	stream.indirect_vreg.gather [hbm4b:s7+s4], $0x80, v4, vm0, $0xb8;
	[tilespmem:$0x1C200] =	vst v63  }
0xf7: {  	_ = 	snop  }
0xf8: {  	[tilespmem:s11], [sflag:$0x1] =	stream.indirect_vreg.gather [hbm4b:s3+s4], $0x80, v3, vm0, $0xb8;
	[tilespmem:$0x1C200] =	vst v63  }
0xf9: {  	_ = 	snop  }
0xfa: {  	[tilespmem:s12], [sflag:$0x1] =	stream.indirect_vreg.gather [hbm4b:s7+s4], $0x80, v3, vm0, $0xb8;
	[tilespmem:$0x1C200] =	vst v63  }
0xfb: {  	v3 =	vld [tilespmem:s0+$0x0];
	_ =	sdelay $0x4  }
0xfc: {  	v60 =	vshll.u32 v3, $0x2  }
0xfd: {  	v3 =	vand.u32 $0x7, v3;
	v4 =	vand.u32 $0xFFFFFFE0, v60  }
0xfe: {  	v3 =	vor.u32 v3, v4  }
0xff: {  	v4 =	vperm.xlane v3, v0;
	_ =	sdelay $0x1  }
0x100: {  	v4 =	vadd.s32 v1, v4;
	_ =	sdelay $0x1  }
0x101: {  	v3 =	vperm.xlane v3, v2;
	_ =	sdelay $0x1  }
0x102: {  	v3 =	vadd.s32 v1, v3  }
0x103: {  	[tilespmem:s13], [sflag:$0x1] =	stream.indirect_vreg.gather [hbm4b:s3+s4], $0x80, v4, vm0, $0xb8;
	[tilespmem:$0x1C200] =	vst v63  }
0x104: {  	_ = 	snop  }
0x105: {  	[tilespmem:s14], [sflag:$0x1] =	stream.indirect_vreg.gather [hbm4b:s7+s4], $0x80, v4, vm0, $0xb8;
	[tilespmem:$0x1C200] =	vst v63  }
0x106: {  	_ = 	snop  }
0x107: {  	[tilespmem:s15], [sflag:$0x1] =	stream.indirect_vreg.gather [hbm4b:s3+s4], $0x80, v3, vm0, $0xb8;
	[tilespmem:$0x1C200] =	vst v63  }
0x108: {  	_ = 	snop  }
0x109: {  	[tilespmem:s16], [sflag:$0x1] =	stream.indirect_vreg.gather [hbm4b:s7+s4], $0x80, v3, vm0, $0xb8;
	[tilespmem:$0x1C200] =	vst v63  }
0x10a: {  	v3 =	vld [tilespmem:s0+$0x10];
	_ =	sdelay $0x4  }
0x10b: {  	v61 =	vshll.u32 v3, $0x2  }
0x10c: {  	v3 =	vand.u32 $0x7, v3;
	v4 =	vand.u32 $0xFFFFFFE0, v61  }
0x10d: {  	v3 =	vor.u32 v3, v4  }
0x10e: {  	v4 =	vperm.xlane v3, v0;
	_ =	sdelay $0x1  }
0x10f: {  	v4 =	vadd.s32 v1, v4;
	_ =	sdelay $0x1  }
0x110: {  	v3 =	vperm.xlane v3, v2;
	_ =	sdelay $0x1  }
0x111: {  	v3 =	vadd.s32 v1, v3  }
0x112: {  	[tilespmem:s17], [sflag:$0x1] =	stream.indirect_vreg.gather [hbm4b:s3+s4], $0x80, v4, vm0, $0xb8;
	[tilespmem:$0x1C200] =	vst v63  }
0x113: {  	_ = 	snop  }
0x114: {  	[tilespmem:s18], [sflag:$0x1] =	stream.indirect_vreg.gather [hbm4b:s7+s4], $0x80, v4, vm0, $0xb8;
	[tilespmem:$0x1C200] =	vst v63  }
0x115: {  	_ = 	snop  }
0x116: {  	[tilespmem:s19], [sflag:$0x1] =	stream.indirect_vreg.gather [hbm4b:s3+s4], $0x80, v3, vm0, $0xb8;
	[tilespmem:$0x1C200] =	vst v63  }
0x117: {  	_ = 	snop  }
0x118: {  	[tilespmem:s20], [sflag:$0x1] =	stream.indirect_vreg.gather [hbm4b:s7+s4], $0x80, v3, vm0, $0xb8;
	[tilespmem:$0x1C200] =	vst v63  }
0x119: {  	v3 =	vld [tilespmem:s0+$0x20];
	_ =	sdelay $0x4  }
0x11a: {  	v62 =	vshll.u32 v3, $0x2  }
0x11b: {  	v3 =	vand.u32 $0x7, v3;
	v4 =	vand.u32 $0xFFFFFFE0, v62  }
0x11c: {  	v3 =	vor.u32 v3, v4  }
0x11d: {  	v4 =	vperm.xlane v3, v0;
	_ =	sdelay $0x1  }
0x11e: {  	v4 =	vadd.s32 v1, v4;
	_ =	sdelay $0x1  }
0x11f: {  	v3 =	vperm.xlane v3, v2;
	_ =	sdelay $0x1  }
0x120: {  	v3 =	vadd.s32 v1, v3  }
0x121: {  	[tilespmem:s21], [sflag:$0x1] =	stream.indirect_vreg.gather [hbm4b:s3+s4], $0x80, v4, vm0, $0xb8;
	[tilespmem:$0x1C200] =	vst v63  }
0x122: {  	_ = 	snop  }
0x123: {  	[tilespmem:s22], [sflag:$0x1] =	stream.indirect_vreg.gather [hbm4b:s7+s4], $0x80, v4, vm0, $0xb8;
	[tilespmem:$0x1C200] =	vst v63  }
0x124: {  	_ = 	snop  }
0x125: {  	[tilespmem:s23], [sflag:$0x1] =	stream.indirect_vreg.gather [hbm4b:s3+s4], $0x80, v3, vm0, $0xb8;
	[tilespmem:$0x1C200] =	vst v63  }
0x126: {  	_ = 	snop  }
0x127: {  	[tilespmem:s24], [sflag:$0x1] =	stream.indirect_vreg.gather [hbm4b:s7+s4], $0x80, v3, vm0, $0xb8;
	[tilespmem:$0x1C200] =	vst v63  }
0x128: {  	v3 =	vld [tilespmem:s0+$0x30];
	_ =	sdelay $0x4  }
0x129: {  	v63 =	vshll.u32 v3, $0x2  }
0x12a: {  	v3 =	vand.u32 $0x7, v3;
	v4 =	vand.u32 $0xFFFFFFE0, v63  }
0x12b: {  	v3 =	vor.u32 v3, v4  }
0x12c: {  	v4 =	vperm.xlane v3, v0;
	_ =	sdelay $0x1  }
0x12d: {  	v4 =	vadd.s32 v1, v4;
	_ =	sdelay $0x1  }
0x12e: {  	v3 =	vperm.xlane v3, v2;
	_ =	sdelay $0x1  }
0x12f: {  	v3 =	vadd.s32 v1, v3  }
0x130: {  	[tilespmem:s25], [sflag:$0x1] =	stream.indirect_vreg.gather [hbm4b:s3+s4], $0x80, v4, vm0, $0xb8;
	[tilespmem:$0x1C200] =	vst v63  }
0x131: {  	_ = 	snop  }
0x132: {  	[tilespmem:s26], [sflag:$0x1] =	stream.indirect_vreg.gather [hbm4b:s7+s4], $0x80, v4, vm0, $0xb8;
	[tilespmem:$0x1C200] =	vst v63  }
0x133: {  	_ = 	snop  }
0x134: {  	[tilespmem:s28], [sflag:$0x1] =	stream.indirect_vreg.gather [hbm4b:s3+s4], $0x80, v3, vm0, $0xb8;
	[tilespmem:$0x1C200] =	vst v63  }
0x135: {  	_ = 	snop  }
0x136: {  	[tilespmem:s29], [sflag:$0x1] =	stream.indirect_vreg.gather [hbm4b:s7+s4], $0x80, v3, vm0, $0xb8;
	[tilespmem:$0x1C200] =	vst v63  }
0x137: {  	_ =	swait.ge [sflag:s30], $0xC000  }
0x138: {  	[sflag:s30] =	ssyncset.done $0x0  }
0x139: {  	[sflag:s30] =	ssyncadd.s32 $0xFFFF4000  }
0x13a: {  	_ =	swait.ge [sflag:s30], $0x10000  }
0x13b: {  	p0 =	sne.s32 s5, $0xA800;
	s9 =	rddreg [dreg:$0x5];
	[sflag:s30] =	ssyncset.done $0x0  }
.Ltmp0:
0x13c: {  	[sflag:s30] =	ssyncadd.s32 $0xFFFF0000;
	s8 =	sadd.s32 s5, s9;
	(pc) =	sbr.rel @p0 .LBB2_2-.Ltmp0, $4  }
0x13d: {  	[hbm4b:s8+s4] =	stream.linear.scatter [tilespmem:s10], [sflag:$0x2], $0x1C000, $0x38;
	[tilespmem:$0x1C200] =	vst v63  }
0x13e: {  	_ =	swait.ge [sflag:s31], $0x1C000  }
0x13f: {  	[sflag:s31] =	ssyncset.done $0x0  }
0x140: {  	s0 =	sadd.s32 $0x80, s0;
	s5 =	sadd.s32 $0x3800, s5;
	[sflag:s31] =	ssyncadd.s32 $0xFFFE4000  }
0x141: {  	s0 =	sld [smem:$0x7FB];
	_ =	sdelay $0x1  }
0x142: {  	s2 =	sadd.s32 $0x1, s2  }
0x143: {  	p0 =	sne.s32 s2, s0  }
.Ltmp1:
0x144: {  	_ = 	snop;
	(pc) =	sbr.rel @p0 .LBB2_1-.Ltmp1, $1  }
0x145: {  	_ =	sdelay $0x3  }
0x146: {  	_ =	sfence.sel $0x180000  }
0x147: {  	[bflag:$0x0] =	sbarrier.arrive $0xFFFF  }
0x148: {  	_ =	strace $0x90000047  }
0x149: {  	s0 =	stileid.u32;
	[bflag:$0x2] =	sbarrier.arrive $0xFFFF  }
0x14a: {  	p0 =	sne.s32 s0, $0x0;
	s0 =	rddreg [dreg:$0x4]  }
0x14b: {  	s0 =	sadd.s32 @!p0 $0x100000, s0  }
0x14c: {  	[sflag:s0] =	ssyncadd.tile.s32 @!p0 $0x1;
	_ =	shalt  }
.Lfunc_end2:
_tile_overlayer_lowered:
.L_overlay_start_2:
0x14d: {  	(tag) =	ssettag $0x2  }
0x14e: {  	s0 =	rddreg [dreg:$0x0];
	s2 =	stileid.u32  }
0x14f: {  	s1 =	rddreg [dreg:$0x1];
	p0 =	sne.s32 s2, $0x0  }
0x150: {  	s3 =	rddreg [dreg:$0x2];
	[bflag:$0x3] =	sbarrier.arrive $0xFFFF;
	s2 =	simm.s32 @!p0 $0x1C03  }
0x151: {  	[timem:s3], [sflag:s2] =	dma.local @!p0 [hbm:s0], s1  }
0x152: {  	s0 =	simm.s32 @!p0 $0x3  }
0x153: {  	_ =	swait.ge @!p0 [sflag:s0], s1  }
0x154: {  	s1 =	ssub.s32 @!p0 $0x0, s1;
	[sflag:s0] =	ssyncset.done @!p0 $0x0  }
0x155: {  	[sflag:s0] =	ssyncadd.s32 @!p0 s1  }
0x156: {  	[bflag:$0x3] =	sbarrier.arrive $0xFFFF  }
0x157: {  	_ =	shalt  }

</sc_bundles>
